<compile_context>
chip_gen: v7x
topology: tpu7x:2x2x1
jax: 0.10.2.dev20260603
libtpu: 0.0.44.dev20260713+nightly
codegen_flags: <defaults>
</compile_context>

<pallas_src>
import jax
from jax import lax
from jax.experimental import pallas as pl
from jax.experimental.pallas import tpu as pltpu
from jax.experimental.pallas import tpu_sc as plsc


def _scs_body(key_hbm, value_hbm, out_k_hbm, out_v_hbm, spm0, spm1, sem0, sem1):
    core = lax.axis_index("c")
    half = key_hbm.shape[0] // 2

    def _pingpong(src, dst):
        in0 = pltpu.async_copy(src.at[pl.ds(0, half)], spm0, sem0)
        in1 = pltpu.async_copy(src.at[pl.ds(half, half)], spm1, sem1)
        in0.wait()
        out0 = pltpu.async_copy(spm0, dst.at[pl.ds(0, half)], sem0)
        in1.wait()
        out1 = pltpu.async_copy(spm1, dst.at[pl.ds(half, half)], sem1)
        out0.wait()
        out1.wait()

    @pl.when(core == 0)
    def _():
        _pingpong(key_hbm, out_k_hbm)

    @pl.when(core == 1)
    def _():
        _pingpong(value_hbm, out_v_hbm)


def kernel(key, value, cache_k, cache_v):
    mesh = plsc.ScalarSubcoreMesh(axis_name="c", num_cores=2)
    half_shape = (key.shape[0] // 2,) + key.shape[1:]
    fn = pl.kernel(
        _scs_body,
        mesh=mesh,
        out_type=[
            jax.ShapeDtypeStruct(key.shape, key.dtype),
            jax.ShapeDtypeStruct(value.shape, value.dtype),
        ],
        scratch_types=[
            pltpu.VMEM_SHARED(half_shape, key.dtype),
            pltpu.VMEM_SHARED(half_shape, key.dtype),
            pltpu.SemaphoreType.DMA,
            pltpu.SemaphoreType.DMA,
        ],
    )
    out_k, out_v = fn(key, value)
    return (out_k, out_v)

# --- scband reference (transcript-rebuilt; emitter-appended) ---
"""Pipeline reference for scband-sliding-window-cache-45861660787372 (READ-ONLY COPY).

The authoritative reference and input builder live on the scoring server;
editing this copy changes nothing except your own understanding.
"""

import jax, jax.numpy as jnp
import numpy as np

MAX_BATCH = 32
WINDOW_SIZE = 4096
N_KV_HEADS = 8
HEAD_DIM = 128


def setup_inputs() -> dict:
    rng = jax.random.key(0)
    k1, k2 = jax.random.split(rng)
    key = jax.random.normal(k1, (32, 8, N_KV_HEADS, HEAD_DIM), dtype=jnp.float32)
    value = jax.random.normal(k2, (32, 8, N_KV_HEADS, HEAD_DIM), dtype=jnp.float32)
    # module buffers (fresh cache state: write_pos=0, filled_length=0)
    cache_k = jnp.zeros((MAX_BATCH, WINDOW_SIZE, N_KV_HEADS, HEAD_DIM), dtype=jnp.float32)
    cache_v = jnp.zeros((MAX_BATCH, WINDOW_SIZE, N_KV_HEADS, HEAD_DIM), dtype=jnp.float32)
    return {"key": key, "value": value, "cache_k": cache_k, "cache_v": cache_v}


def reference(key, value, cache_k, cache_v):
    batch_size, seq_len = key.shape[0], key.shape[1]
    write_pos = 0
    filled_length = 0
    for i in range(seq_len):
        pos = write_pos % WINDOW_SIZE
        # scatter-overwrite into ring buffer slot `pos`
        cache_k = cache_k.at[:batch_size, pos].set(key[:, i])
        cache_v = cache_v.at[:batch_size, pos].set(value[:, i])
        write_pos += 1
        filled_length = min(filled_length + 1, WINDOW_SIZE)
    if filled_length < WINDOW_SIZE:
        return (cache_k[:batch_size, :filled_length], cache_v[:batch_size, :filled_length])
    else:
        start = write_pos % WINDOW_SIZE
        indices = jnp.concatenate([jnp.arange(start, WINDOW_SIZE), jnp.arange(0, start)])
        return (jnp.take(cache_k[:batch_size], indices, axis=1), jnp.take(cache_v[:batch_size], indices, axis=1))

if __name__ == "__main__":
    import jax
    _d = setup_inputs()
    print(jax.jit(kernel)(*tuple(_d.values())))

</pallas_src>

<mosaic_0001>
#map = affine_map<(d0) -> (0, 0, 0, 0)>
module attributes {stable_mosaic.version = 14 : i64} {
  func.func @_scs_body(%arg0: i32, %arg1: memref<32x8x8x128xf32, #tpu.memory_space<hbm>>, %arg2: memref<32x8x8x128xf32, #tpu.memory_space<hbm>>, %arg3: memref<32x8x8x128xf32, #tpu.memory_space<hbm>>, %arg4: memref<32x8x8x128xf32, #tpu.memory_space<hbm>>, %arg5: memref<16x8x8x128xf32, #tpu.memory_space<vmem_shared>>, %arg6: memref<16x8x8x128xf32, #tpu.memory_space<vmem_shared>>, %arg7: memref<!tpu.dma_semaphore, #tpu.memory_space<semaphore_mem>>, %arg8: memref<!tpu.dma_semaphore, #tpu.memory_space<semaphore_mem>>) attributes {dimension_semantics = [#tpu.dimension_semantics<core_parallel>], iteration_bounds = array<i64: 2>, scalar_prefetch = 0 : i64, scratch_operands = 4 : i64, tpu.core_type = #tpu.core_type<sc_scalar_subcore>, window_params = [{transform_indices = #map}, {transform_indices = #map}, {transform_indices = #map}, {transform_indices = #map}]} {
    %eq3A = arith.constant 0 : i32
    %eq3A_0 = arith.cmpi eq, %arg0, %eq3A : i32
    %convert_element_type3A = arith.extui %eq3A_0 : i1 to i32
    %cond3A = arith.constant 0 : i32
    %cond3A_1 = arith.cmpi ne, %convert_element_type3A, %cond3A : i32
    scf.if %cond3A_1 {
      %dma_start3A = arith.constant 0 : i32
      %dma_start3A_7 = arith.constant 0 : i32
      %dma_start3A_8 = arith.constant 0 : i32
      %dma_start3A_9 = arith.constant 0 : i32
      %dma_start3A_10 = tpu.memref_slice %arg1[%dma_start3A, %dma_start3A_7, %dma_start3A_8, %dma_start3A_9] : memref<32x8x8x128xf32, #tpu.memory_space<hbm>> -> memref<16x8x8x128xf32, #tpu.memory_space<hbm>>
      tpu.enqueue_dma source(%dma_start3A_10 : memref<16x8x8x128xf32, #tpu.memory_space<hbm>>) target(%arg5 : memref<16x8x8x128xf32, #tpu.memory_space<vmem_shared>>) target_semaphore(%arg7 : memref<!tpu.dma_semaphore, #tpu.memory_space<semaphore_mem>>)
      %dma_start3A_11 = arith.constant 16 : i32
      %dma_start3A_12 = arith.constant 0 : i32
      %dma_start3A_13 = arith.constant 0 : i32
      %dma_start3A_14 = arith.constant 0 : i32
      %dma_start3A_15 = tpu.memref_slice %arg1[%dma_start3A_11, %dma_start3A_12, %dma_start3A_13, %dma_start3A_14] : memref<32x8x8x128xf32, #tpu.memory_space<hbm>> -> memref<16x8x8x128xf32, #tpu.memory_space<hbm>>
      tpu.enqueue_dma source(%dma_start3A_15 : memref<16x8x8x128xf32, #tpu.memory_space<hbm>>) target(%arg6 : memref<16x8x8x128xf32, #tpu.memory_space<vmem_shared>>) target_semaphore(%arg8 : memref<!tpu.dma_semaphore, #tpu.memory_space<semaphore_mem>>)
      %dma_wait3A = arith.constant 0 : i32
      %dma_wait3A_16 = arith.constant 0 : i32
      %dma_wait3A_17 = arith.constant 0 : i32
      %dma_wait3A_18 = arith.constant 0 : i32
      %dma_wait3A_19 = tpu.memref_slice %arg1[%dma_wait3A, %dma_wait3A_16, %dma_wait3A_17, %dma_wait3A_18] : memref<32x8x8x128xf32, #tpu.memory_space<hbm>> -> memref<16x8x8x128xf32, #tpu.memory_space<hbm>>
      tpu.wait_dma2 semaphore(%arg7 : memref<!tpu.dma_semaphore, #tpu.memory_space<semaphore_mem>>) src(%dma_wait3A_19 : memref<16x8x8x128xf32, #tpu.memory_space<hbm>>) dst(%arg5 : memref<16x8x8x128xf32, #tpu.memory_space<vmem_shared>>)
      %dma_start3A_20 = arith.constant 0 : i32
      %dma_start3A_21 = arith.constant 0 : i32
      %dma_start3A_22 = arith.constant 0 : i32
      %dma_start3A_23 = arith.constant 0 : i32
      %dma_start3A_24 = tpu.memref_slice %arg3[%dma_start3A_20, %dma_start3A_21, %dma_start3A_22, %dma_start3A_23] : memref<32x8x8x128xf32, #tpu.memory_space<hbm>> -> memref<16x8x8x128xf32, #tpu.memory_space<hbm>>
      tpu.enqueue_dma source(%arg5 : memref<16x8x8x128xf32, #tpu.memory_space<vmem_shared>>) target(%dma_start3A_24 : memref<16x8x8x128xf32, #tpu.memory_space<hbm>>) target_semaphore(%arg7 : memref<!tpu.dma_semaphore, #tpu.memory_space<semaphore_mem>>)
      %dma_wait3A_25 = arith.constant 16 : i32
      %dma_wait3A_26 = arith.constant 0 : i32
      %dma_wait3A_27 = arith.constant 0 : i32
      %dma_wait3A_28 = arith.constant 0 : i32
      %dma_wait3A_29 = tpu.memref_slice %arg1[%dma_wait3A_25, %dma_wait3A_26, %dma_wait3A_27, %dma_wait3A_28] : memref<32x8x8x128xf32, #tpu.memory_space<hbm>> -> memref<16x8x8x128xf32, #tpu.memory_space<hbm>>
      tpu.wait_dma2 semaphore(%arg8 : memref<!tpu.dma_semaphore, #tpu.memory_space<semaphore_mem>>) src(%dma_wait3A_29 : memref<16x8x8x128xf32, #tpu.memory_space<hbm>>) dst(%arg6 : memref<16x8x8x128xf32, #tpu.memory_space<vmem_shared>>)
      %dma_start3A_30 = arith.constant 16 : i32
      %dma_start3A_31 = arith.constant 0 : i32
      %dma_start3A_32 = arith.constant 0 : i32
      %dma_start3A_33 = arith.constant 0 : i32
      %dma_start3A_34 = tpu.memref_slice %arg3[%dma_start3A_30, %dma_start3A_31, %dma_start3A_32, %dma_start3A_33] : memref<32x8x8x128xf32, #tpu.memory_space<hbm>> -> memref<16x8x8x128xf32, #tpu.memory_space<hbm>>
      tpu.enqueue_dma source(%arg6 : memref<16x8x8x128xf32, #tpu.memory_space<vmem_shared>>) target(%dma_start3A_34 : memref<16x8x8x128xf32, #tpu.memory_space<hbm>>) target_semaphore(%arg8 : memref<!tpu.dma_semaphore, #tpu.memory_space<semaphore_mem>>)
      %dma_wait3A_35 = arith.constant 0 : i32
      %dma_wait3A_36 = arith.constant 0 : i32
      %dma_wait3A_37 = arith.constant 0 : i32
      %dma_wait3A_38 = arith.constant 0 : i32
      %dma_wait3A_39 = tpu.memref_slice %arg3[%dma_wait3A_35, %dma_wait3A_36, %dma_wait3A_37, %dma_wait3A_38] : memref<32x8x8x128xf32, #tpu.memory_space<hbm>> -> memref<16x8x8x128xf32, #tpu.memory_space<hbm>>
      tpu.wait_dma2 semaphore(%arg7 : memref<!tpu.dma_semaphore, #tpu.memory_space<semaphore_mem>>) src(%arg5 : memref<16x8x8x128xf32, #tpu.memory_space<vmem_shared>>) dst(%dma_wait3A_39 : memref<16x8x8x128xf32, #tpu.memory_space<hbm>>)
      %dma_wait3A_40 = arith.constant 16 : i32
      %dma_wait3A_41 = arith.constant 0 : i32
      %dma_wait3A_42 = arith.constant 0 : i32
      %dma_wait3A_43 = arith.constant 0 : i32
      %dma_wait3A_44 = tpu.memref_slice %arg3[%dma_wait3A_40, %dma_wait3A_41, %dma_wait3A_42, %dma_wait3A_43] : memref<32x8x8x128xf32, #tpu.memory_space<hbm>> -> memref<16x8x8x128xf32, #tpu.memory_space<hbm>>
      tpu.wait_dma2 semaphore(%arg8 : memref<!tpu.dma_semaphore, #tpu.memory_space<semaphore_mem>>) src(%arg6 : memref<16x8x8x128xf32, #tpu.memory_space<vmem_shared>>) dst(%dma_wait3A_44 : memref<16x8x8x128xf32, #tpu.memory_space<hbm>>)
    } else {
    }
    %eq3A_2 = arith.constant 1 : i32
    %eq3A_3 = arith.cmpi eq, %arg0, %eq3A_2 : i32
    %convert_element_type3A_4 = arith.extui %eq3A_3 : i1 to i32
    %cond3A_5 = arith.constant 0 : i32
    %cond3A_6 = arith.cmpi ne, %convert_element_type3A_4, %cond3A_5 : i32
    scf.if %cond3A_6 {
      %dma_start3A = arith.constant 0 : i32
      %dma_start3A_7 = arith.constant 0 : i32
      %dma_start3A_8 = arith.constant 0 : i32
      %dma_start3A_9 = arith.constant 0 : i32
      %dma_start3A_10 = tpu.memref_slice %arg2[%dma_start3A, %dma_start3A_7, %dma_start3A_8, %dma_start3A_9] : memref<32x8x8x128xf32, #tpu.memory_space<hbm>> -> memref<16x8x8x128xf32, #tpu.memory_space<hbm>>
      tpu.enqueue_dma source(%dma_start3A_10 : memref<16x8x8x128xf32, #tpu.memory_space<hbm>>) target(%arg5 : memref<16x8x8x128xf32, #tpu.memory_space<vmem_shared>>) target_semaphore(%arg7 : memref<!tpu.dma_semaphore, #tpu.memory_space<semaphore_mem>>)
      %dma_start3A_11 = arith.constant 16 : i32
      %dma_start3A_12 = arith.constant 0 : i32
      %dma_start3A_13 = arith.constant 0 : i32
      %dma_start3A_14 = arith.constant 0 : i32
      %dma_start3A_15 = tpu.memref_slice %arg2[%dma_start3A_11, %dma_start3A_12, %dma_start3A_13, %dma_start3A_14] : memref<32x8x8x128xf32, #tpu.memory_space<hbm>> -> memref<16x8x8x128xf32, #tpu.memory_space<hbm>>
      tpu.enqueue_dma source(%dma_start3A_15 : memref<16x8x8x128xf32, #tpu.memory_space<hbm>>) target(%arg6 : memref<16x8x8x128xf32, #tpu.memory_space<vmem_shared>>) target_semaphore(%arg8 : memref<!tpu.dma_semaphore, #tpu.memory_space<semaphore_mem>>)
      %dma_wait3A = arith.constant 0 : i32
      %dma_wait3A_16 = arith.constant 0 : i32
      %dma_wait3A_17 = arith.constant 0 : i32
      %dma_wait3A_18 = arith.constant 0 : i32
      %dma_wait3A_19 = tpu.memref_slice %arg2[%dma_wait3A, %dma_wait3A_16, %dma_wait3A_17, %dma_wait3A_18] : memref<32x8x8x128xf32, #tpu.memory_space<hbm>> -> memref<16x8x8x128xf32, #tpu.memory_space<hbm>>
      tpu.wait_dma2 semaphore(%arg7 : memref<!tpu.dma_semaphore, #tpu.memory_space<semaphore_mem>>) src(%dma_wait3A_19 : memref<16x8x8x128xf32, #tpu.memory_space<hbm>>) dst(%arg5 : memref<16x8x8x128xf32, #tpu.memory_space<vmem_shared>>)
      %dma_start3A_20 = arith.constant 0 : i32
      %dma_start3A_21 = arith.constant 0 : i32
      %dma_start3A_22 = arith.constant 0 : i32
      %dma_start3A_23 = arith.constant 0 : i32
      %dma_start3A_24 = tpu.memref_slice %arg4[%dma_start3A_20, %dma_start3A_21, %dma_start3A_22, %dma_start3A_23] : memref<32x8x8x128xf32, #tpu.memory_space<hbm>> -> memref<16x8x8x128xf32, #tpu.memory_space<hbm>>
      tpu.enqueue_dma source(%arg5 : memref<16x8x8x128xf32, #tpu.memory_space<vmem_shared>>) target(%dma_start3A_24 : memref<16x8x8x128xf32, #tpu.memory_space<hbm>>) target_semaphore(%arg7 : memref<!tpu.dma_semaphore, #tpu.memory_space<semaphore_mem>>)
      %dma_wait3A_25 = arith.constant 16 : i32
      %dma_wait3A_26 = arith.constant 0 : i32
      %dma_wait3A_27 = arith.constant 0 : i32
      %dma_wait3A_28 = arith.constant 0 : i32
      %dma_wait3A_29 = tpu.memref_slice %arg2[%dma_wait3A_25, %dma_wait3A_26, %dma_wait3A_27, %dma_wait3A_28] : memref<32x8x8x128xf32, #tpu.memory_space<hbm>> -> memref<16x8x8x128xf32, #tpu.memory_space<hbm>>
      tpu.wait_dma2 semaphore(%arg8 : memref<!tpu.dma_semaphore, #tpu.memory_space<semaphore_mem>>) src(%dma_wait3A_29 : memref<16x8x8x128xf32, #tpu.memory_space<hbm>>) dst(%arg6 : memref<16x8x8x128xf32, #tpu.memory_space<vmem_shared>>)
      %dma_start3A_30 = arith.constant 16 : i32
      %dma_start3A_31 = arith.constant 0 : i32
      %dma_start3A_32 = arith.constant 0 : i32
      %dma_start3A_33 = arith.constant 0 : i32
      %dma_start3A_34 = tpu.memref_slice %arg4[%dma_start3A_30, %dma_start3A_31, %dma_start3A_32, %dma_start3A_33] : memref<32x8x8x128xf32, #tpu.memory_space<hbm>> -> memref<16x8x8x128xf32, #tpu.memory_space<hbm>>
      tpu.enqueue_dma source(%arg6 : memref<16x8x8x128xf32, #tpu.memory_space<vmem_shared>>) target(%dma_start3A_34 : memref<16x8x8x128xf32, #tpu.memory_space<hbm>>) target_semaphore(%arg8 : memref<!tpu.dma_semaphore, #tpu.memory_space<semaphore_mem>>)
      %dma_wait3A_35 = arith.constant 0 : i32
      %dma_wait3A_36 = arith.constant 0 : i32
      %dma_wait3A_37 = arith.constant 0 : i32
      %dma_wait3A_38 = arith.constant 0 : i32
      %dma_wait3A_39 = tpu.memref_slice %arg4[%dma_wait3A_35, %dma_wait3A_36, %dma_wait3A_37, %dma_wait3A_38] : memref<32x8x8x128xf32, #tpu.memory_space<hbm>> -> memref<16x8x8x128xf32, #tpu.memory_space<hbm>>
      tpu.wait_dma2 semaphore(%arg7 : memref<!tpu.dma_semaphore, #tpu.memory_space<semaphore_mem>>) src(%arg5 : memref<16x8x8x128xf32, #tpu.memory_space<vmem_shared>>) dst(%dma_wait3A_39 : memref<16x8x8x128xf32, #tpu.memory_space<hbm>>)
      %dma_wait3A_40 = arith.constant 16 : i32
      %dma_wait3A_41 = arith.constant 0 : i32
      %dma_wait3A_42 = arith.constant 0 : i32
      %dma_wait3A_43 = arith.constant 0 : i32
      %dma_wait3A_44 = tpu.memref_slice %arg4[%dma_wait3A_40, %dma_wait3A_41, %dma_wait3A_42, %dma_wait3A_43] : memref<32x8x8x128xf32, #tpu.memory_space<hbm>> -> memref<16x8x8x128xf32, #tpu.memory_space<hbm>>
      tpu.wait_dma2 semaphore(%arg8 : memref<!tpu.dma_semaphore, #tpu.memory_space<semaphore_mem>>) src(%arg6 : memref<16x8x8x128xf32, #tpu.memory_space<vmem_shared>>) dst(%dma_wait3A_44 : memref<16x8x8x128xf32, #tpu.memory_space<hbm>>)
    } else {
    }
    return
  }
}

</mosaic_0001>

<sc_bundles>
// kernel: kernel.3.cloned.1.call-start
scs
__scs_entry_jumppad:
0x0: {  	(pc) =	sbr.rel $0x88, $3  }
0x1: {  	(tag) =	ssettag $0x0;
	lr =	simm.s32 $0x1  }
0x2: {  	[smem:$0x3F9F] =	sst lr;
	_ =	strace $0xD0000000  }
0x3: {  	_ = 	snop  }
0x4: {  	_ = 	snop  }
0x5: {  	_ = 	snop  }
0x6: {  	_ = 	snop  }
0x7: {  	_ = 	snop  }
__scs_overlays_trampoline_lowered:
0x8: {  	[smem:$0x3FAE] =	sst s0  }
0x9: {  	[smem:$0x3FAF] =	sst s1  }
0xa: {  	[smem:$0x3FB0] =	sst s2  }
0xb: {  	[smem:$0x3FB1] =	sst s3  }
0xc: {  	[smem:$0x3FB2] =	sst s4  }
0xd: {  	[smem:$0x3FB3] =	sst s5  }
0xe: {  	[smem:$0x3FB4] =	sst s6  }
0xf: {  	[smem:$0x3FB5] =	sst s7  }
0x10: {  	[smem:$0x3FB6] =	sst s8  }
0x11: {  	[smem:$0x3FB7] =	sst s9;
	s0 =	simm.s32 @!p0 $0x0  }
0x12: {  	s1 =	sld [smem:$0x3F9D];
	s0 =	simm.s32 @p0 $0x1  }
0x13: {  	[smem:$0x3FB8] =	sst s0;
	s0 =	simm.s32 @!p1 $0x0  }
0x14: {  	s2 =	sld [smem:$0x3F9C];
	s0 =	simm.s32 @p1 $0x1  }
0x15: {  	[smem:$0x3FB9] =	sst s0;
	s0 =	simm.s32 @!p2 $0x0  }
0x16: {  	s3 =	sld [smem:$0x3FDB];
	s0 =	simm.s32 @p2 $0x1  }
0x17: {  	s4 =	simm.s32 $0x1BF5;
	[smem:$0x3FBB] =	sst s0  }
0x18: {  	s0 =	sld [smem:$0x3F9E];
	_ =	swait.ge [sflag:s4], $0x0  }
0x19: {  	s7 =	sld [smem:$0x3F9F]  }
0x1a: {  	s8 =	sadd.s32 $0xFFFFE003, lr  }
0x1b: {  	s9 =	sadd.s32 $0xFFFFFEF7, lr;
	s5 =	simm.s32 $0xFFFFFFFF;
	p2 =	slt.u32 s8, $0xFFFFF086  }
0x1c: {  	p1 =	slt.u32 s9, $0xF7A;
	s5 =	simm.s32 @!p2 $0x0  }
0x1d: {  	s5 =	simm.s32 @p1 $0x1;
	p0 =	seq.s32 s7, s2  }
0x1e: {  	s7 =	smul.u32 @!p0 $0xF7A, s2;
	p2 =	seq.s32 @!p0 s5, $0x0  }
0x1f: {  	s9 =	smul.u32 $0xF7A, s1;
	s8 =	simm.s32 @!p0 $0x1BF5;
	p2 =	por !p2, p0  }
0x20: {  	[sflag:s8] =	ssyncset.s32 @!p0 $0xFFFFF086;
	s6 =	sadd.s32 @!p0 s3, s7;
	s7 =	simm.s32 @!p0 $0x108  }
0x21: {  	s3 =	sadd.s32 s3, s9;
	s6 =	sadd.s32 @!p0 $0x88, s6;
	s7 =	simm.s32 @p2 $0x1082  }
0x22: {  	[simem:s7], [sflag:s8] =	dma.local @!p0 [hbm:s6], $0xF7A  }
0x23: {  	s9 =	sor.u32 $0xD0000000, s2;
	s6 =	simm.s32 $0x108;
	_ =	swait.ge @!p0 [sflag:s8], $0x0  }
0x24: {  	s3 =	sadd.s32 $0x88, s3;
	s6 =	simm.s32 @!p1 $0x1082;
	[sflag:s4] =	ssyncset.s32 $0xFFFFF086  }
0x25: {  	[simem:s6], [sflag:s4] =	dma.local [hbm:s3], $0xF7A  }
0x26: {  	[smem:$0x3F9F] =	sst s1;
	(tag) =	ssettag s2;
	_ =	strace s9  }
0x27: {  	s1 =	sld [smem:$0x3FAF]  }
0x28: {  	s2 =	sld [smem:$0x3FB0]  }
0x29: {  	s4 =	sld [smem:$0x3FB2]  }
0x2a: {  	p0 =	seq.s32 s5, $0x0;
	s5 =	sld [smem:$0x3FB3]  }
0x2b: {  	s6 =	sld [smem:$0x3FB4]  }
0x2c: {  	s7 =	sld [smem:$0x3FB5]  }
0x2d: {  	s3 =	simm.s32 $0x108;
	s8 =	sld [smem:$0x3FB6]  }
0x2e: {  	s3 =	simm.s32 @!p0 $0x1082;
	s9 =	sld [smem:$0x3FB7]  }
0x2f: {  	lr =	sadd.s32 s0, s3;
	s0 =	sld [smem:$0x3FAE]  }
0x30: {  	s3 =	sld [smem:$0x3FB1]  }
0x31: {  	[smem:$0x3FBA] =	sst s10  }
0x32: {  	s10 =	sld [smem:$0x3FB8];
	_ =	sdelay $0x3  }
0x33: {  	p0 =	seq.s32 s10, $0x1;
	s10 =	sld [smem:$0x3FBA];
	_ =	sdelay $0x3  }
0x34: {  	[smem:$0x3FBA] =	sst s10  }
0x35: {  	s10 =	sld [smem:$0x3FB9];
	_ =	sdelay $0x3  }
0x36: {  	p1 =	seq.s32 s10, $0x1;
	s10 =	sld [smem:$0x3FBA];
	_ =	sdelay $0x3  }
0x37: {  	[smem:$0x3FBA] =	sst s10  }
0x38: {  	s10 =	sld [smem:$0x3FBB]  }
0x39: {  	_ = 	snop;
	(pc) =	sbr.ind lr, $3  }
0x3a: {  	_ = 	snop  }
0x3b: {  	_ = 	snop  }
0x3c: {  	p2 =	seq.s32 s10, $0x1;
	s10 =	sld [smem:$0x3FBA]  }
0x3d: {  	_ =	shalt  }
0x3e: {  	_ =	shalt  }
0x3f: {  	_ =	shalt  }
0x40: {  	_ =	shalt  }
0x41: {  	_ =	shalt  }
0x42: {  	_ =	shalt  }
0x43: {  	_ =	shalt  }
0x44: {  	_ =	shalt  }
0x45: {  	_ =	shalt  }
0x46: {  	_ =	shalt  }
0x47: {  	_ =	shalt  }
0x48: {  	_ =	shalt  }
0x49: {  	_ =	shalt  }
0x4a: {  	_ =	shalt  }
0x4b: {  	_ =	shalt  }
0x4c: {  	_ =	shalt  }
0x4d: {  	_ =	shalt  }
0x4e: {  	_ =	shalt  }
0x4f: {  	_ =	shalt  }
0x50: {  	_ =	shalt  }
0x51: {  	_ =	shalt  }
0x52: {  	_ =	shalt  }
0x53: {  	_ =	shalt  }
0x54: {  	_ =	shalt  }
0x55: {  	_ =	shalt  }
0x56: {  	_ =	shalt  }
0x57: {  	_ =	shalt  }
0x58: {  	_ =	shalt  }
0x59: {  	_ =	shalt  }
0x5a: {  	_ =	shalt  }
0x5b: {  	_ =	shalt  }
0x5c: {  	_ =	shalt  }
0x5d: {  	_ =	shalt  }
0x5e: {  	_ =	shalt  }
0x5f: {  	_ =	shalt  }
0x60: {  	_ =	shalt  }
0x61: {  	_ =	shalt  }
0x62: {  	_ =	shalt  }
0x63: {  	_ =	shalt  }
0x64: {  	_ =	shalt  }
0x65: {  	_ =	shalt  }
0x66: {  	_ =	shalt  }
0x67: {  	_ =	shalt  }
0x68: {  	_ =	shalt  }
0x69: {  	_ =	shalt  }
0x6a: {  	_ =	shalt  }
0x6b: {  	_ =	shalt  }
0x6c: {  	_ =	shalt  }
0x6d: {  	_ =	shalt  }
0x6e: {  	_ =	shalt  }
0x6f: {  	_ =	shalt  }
0x70: {  	_ =	shalt  }
0x71: {  	_ =	shalt  }
0x72: {  	_ =	shalt  }
0x73: {  	_ =	shalt  }
0x74: {  	_ =	shalt  }
0x75: {  	_ =	shalt  }
0x76: {  	_ =	shalt  }
0x77: {  	_ =	shalt  }
0x78: {  	_ =	shalt  }
0x79: {  	_ =	shalt  }
0x7a: {  	_ =	shalt  }
0x7b: {  	_ =	shalt  }
0x7c: {  	_ =	shalt  }
0x7d: {  	_ =	shalt  }
0x7e: {  	_ =	shalt  }
0x7f: {  	_ =	shalt  }
0x80: {  	_ =	shalt  }
0x81: {  	_ =	shalt  }
0x82: {  	_ =	shalt  }
0x83: {  	_ =	shalt  }
0x84: {  	_ =	shalt  }
0x85: {  	_ =	shalt  }
0x86: {  	_ =	shalt  }
0x87: {  	_ =	shalt  }
.Lfunc_end0:
.L_simem_size_0:
called_computation_lowered:
.L_overlay_start_0:
0x88: {  	s2 =	sld [smem:$0x3FD9]  }
0x89: {  	s3 =	sld [smem:$0x3FFE];
	_ =	sdelay $0x1  }
0x8a: {  	s1 =	srdreg.scid  }
0x8b: {  	s0 =	sand.u32 $0x1, s1  }
0x8c: {  	s26 =	sshll.u32 s0, $0xA;
	s2 =	sadd.s32 s3, s2  }
0x8d: {  	s2 =	sadd.s32 s2, s26  }
0x8e: {  	[smem:$0x3FC6] =	sst s2  }
0x8f: {  	_ = 	snop  }
0x90: {  	s2 =	sld [smem:$0x3FD0];
	_ =	sdelay $0x1  }
0x91: {  	s5 =	sld [smem:$0x3FC9]  }
0x92: {  	s4 =	simm.s32 $0xB;
	s6 =	simm.s32 $0x10;
	s3 =	sld [smem:$0x3FC8]  }
0x93: {  	[smem:s6], [sflag:s4] =	dma.local [hbm:s2], $0x1  }
0x94: {  	_ =	swait.eq [sflag:s4], $0x1  }
0x95: {  	[sflag:s4] =	ssyncset.done $0x0;
	s6 =	sld [smem:$0x10]  }
0x96: {  	s2 =	sld [smem:$0x11];
	[sflag:s4] =	ssyncadd.s32 $0xFFFFFFFF;
	s4 =	simm.s32 $0x0  }
0x97: {  	[smem:$0xF] =	sst s4  }
0x98: {  	(tm) =	ssettm $0x1  }
0x99: {  	s7 =	sld [smem:$0x3FFB];
	_ =	sdelay $0x3  }
0x9a: {  	_ =	strace s7  }
0x9b: {  	s7 =	sld [smem:$0x3FFC];
	_ =	sdelay $0x3  }
0x9c: {  	_ =	strace s7  }
0x9d: {  	s7 =	sld [smem:$0x3FFD];
	_ =	sdelay $0x3  }
0x9e: {  	_ =	strace s7  }
0x9f: {  	s28 =	simm.s32 $0x1B8B;
	_ =	strace $0x8FFFFFFF  }
0xa0: {  	_ =	swait.ge [sflag:s28], $0x1  }
0xa1: {  	[sflag:s28] =	ssyncset.done $0x0  }
0xa2: {  	s29 =	simm.s32 $0x1B8E;
	[sflag:s28] =	ssyncadd.s32 $0xFFFFFFFF  }
0xa3: {  	p0 =	seq.s32 s0, $0x1;
	[smem:$0x3FD2] =	sst s29  }
0xa4: {  	s8 =	simm.s32 @!p0 $0x0;
	s7 =	simm.s32 @!p0 $0x9;
	_ =	strace $0x80000046  }
0xa5: {  	[spmem:s8], [sflag:s7] =	dma.local @!p0 [hbm:s5], $0x4000  }
0xa6: {  	s9 =	simm.s32 @!p0 $0xA;
	s10 =	simm.s32 @!p0 $0x4000;
	s5 =	sadd.s32 @!p0 $0x4000, s5  }
0xa7: {  	[spmem:s10], [sflag:s9] =	dma.local @!p0 [hbm:s5], $0x4000  }
0xa8: {  	_ =	swait.ge @!p0 [sflag:s7], $0x4000  }
0xa9: {  	[sflag:s7] =	ssyncset.done @!p0 $0x0  }
0xaa: {  	[sflag:s7] =	ssyncadd.s32 @!p0 $0xFFFFC000;
	_ =	sdelay $0x1  }
0xab: {  	[hbm:s6], [sflag:s7] =	dma.local @!p0 [spmem:s8], $0x4000  }
0xac: {  	_ =	swait.ge @!p0 [sflag:s9], $0x4000  }
0xad: {  	[sflag:s9] =	ssyncset.done @!p0 $0x0  }
0xae: {  	[sflag:s9] =	ssyncadd.s32 @!p0 $0xFFFFC000  }
0xaf: {  	s5 =	sadd.s32 @!p0 $0x4000, s6  }
0xb0: {  	[hbm:s5], [sflag:s9] =	dma.local @!p0 [spmem:s10], $0x4000  }
0xb1: {  	_ =	swait.ge @!p0 [sflag:s7], $0x4000  }
0xb2: {  	[sflag:s7] =	ssyncset.done @!p0 $0x0  }
0xb3: {  	[sflag:s7] =	ssyncadd.s32 @!p0 $0xFFFFC000;
	_ =	sdelay $0x2  }
0xb4: {  	p1 =	seq.s32 @!p0 s0, $0x0;
	_ =	swait.ge @!p0 [sflag:s9], $0x4000  }
0xb5: {  	p1 =	por p0, !p1;
	[sflag:s9] =	ssyncset.done @!p0 $0x0  }
0xb6: {  	s5 =	simm.s32 @p1 $0x9;
	[sflag:s9] =	ssyncadd.s32 @!p0 $0xFFFFC000  }
0xb7: {  	[spmem:s4], [sflag:s5] =	dma.local @p1 [hbm:s3], $0x4000  }
0xb8: {  	s6 =	simm.s32 @p1 $0xA;
	s7 =	simm.s32 @p1 $0x4000;
	s3 =	sadd.s32 @p1 $0x4000, s3  }
0xb9: {  	[spmem:s7], [sflag:s6] =	dma.local @p1 [hbm:s3], $0x4000  }
0xba: {  	_ =	swait.ge @p1 [sflag:s5], $0x4000  }
0xbb: {  	[sflag:s5] =	ssyncset.done @p1 $0x0  }
0xbc: {  	[sflag:s5] =	ssyncadd.s32 @p1 $0xFFFFC000;
	_ =	sdelay $0x1  }
0xbd: {  	[hbm:s2], [sflag:s5] =	dma.local @p1 [spmem:s4], $0x4000  }
0xbe: {  	_ =	swait.ge @p1 [sflag:s6], $0x4000  }
0xbf: {  	[sflag:s6] =	ssyncset.done @p1 $0x0  }
0xc0: {  	[sflag:s6] =	ssyncadd.s32 @p1 $0xFFFFC000  }
0xc1: {  	s2 =	sadd.s32 @p1 $0x4000, s2  }
0xc2: {  	[hbm:s2], [sflag:s6] =	dma.local @p1 [spmem:s7], $0x4000  }
0xc3: {  	_ =	swait.ge @p1 [sflag:s5], $0x4000  }
0xc4: {  	[sflag:s5] =	ssyncset.done @p1 $0x0  }
0xc5: {  	[sflag:s5] =	ssyncadd.s32 @p1 $0xFFFFC000;
	_ =	sdelay $0x2  }
0xc6: {  	_ =	swait.ge @p1 [sflag:s6], $0x4000  }
0xc7: {  	[sflag:s6] =	ssyncset.done @p1 $0x0  }
0xc8: {  	[sflag:s6] =	ssyncadd.s32 @p1 $0xFFFFC000  }
0xc9: {  	_ =	strace $0x90000046  }
0xca: {  	_ =	sfence  }
0xcb: {  	s30 =	sld [smem:$0x0];
	_ =	sdelay $0x2  }
0xcc: {  	s31 =	sshll.u32 s1, $0xD;
	s1 =	sshrl.u32 s1, $0x2  }
0xcd: {  	s3 =	sand.u32 $0x4000, s31;
	s1 =	sadd.s32 s1, s30  }
0xce: {  	s0 =	sor.u32 s3, s0;
	s1 =	sshll.u32 s1, $0x11  }
0xcf: {  	s0 =	sor.u32 s1, s0  }
0xd0: {  	s0 =	sadd.s32 $0x8F2B, s0;
	(pc) =	sbr.abs _section_cstart, $3  }
0xd1: {  	[sflag:s0] =	ssyncadd.remote.s32 $0x1  }
0xd2: {  	_ =	strace $0x9FFFFFFF  }
0xd3: {  	(tm) =	ssettm $0x7FFFFFFF  }

</sc_bundles>
